<compile_context>
chip_gen: v7x
topology: tpu7x:2x2x1
jax: 0.10.2.dev20260603
libtpu: 0.0.44.dev20260713+nightly
codegen_flags: <defaults>
</compile_context>

<pallas_src>
import math

import jax
import jax.numpy as jnp
from jax import lax
from jax.experimental import pallas as pl
from jax.experimental.pallas import tpu as pltpu
from jax.experimental.pallas import tpu_sc as plsc

_N_CHARGES = 100
_OUT_DIM = 32
_SCALE = float(0.1 / math.sqrt(2.0))

_NC = 2
_NS = 16
_NW = _NC * _NS

_B = 2000
_PAIRS = _N_CHARGES * _N_CHARGES
_PAIRS_PER_TILE = _PAIRS // _NS


def _body(charges_hbm, idxi_hbm, idxj_hbm, s_hbm, r_hbm, out_hbm,
          charges_v, ii_v, jj_v, pidx_v, out_v, s_v, r_v, pair_sh, sem):
    cid = lax.axis_index("c")
    sid = lax.axis_index("s")
    wid = sid * _NC + cid

    n_edges = idxi_hbm.shape[0]
    e_per_w = n_edges // _NW
    n_chunks = e_per_w // _B

    pltpu.sync_copy(s_hbm, s_v)
    pltpu.sync_copy(r_hbm, r_v)
    pltpu.sync_copy(charges_hbm, charges_v)

    def build(p_loc, c):
        p = sid * _PAIRS_PER_TILE + p_loc
        a = p // _N_CHARGES
        b = p - a * _N_CHARGES
        scale = jnp.float32(_SCALE)
        for h in range(_OUT_DIM // 16):
            sv = s_v[a, pl.ds(h * 16, 16)]
            rv = r_v[b, pl.ds(h * 16, 16)]
            out_v[p_loc, pl.ds(h * 16, 16)] = (sv + rv) * scale
        return c

    lax.fori_loop(0, _PAIRS_PER_TILE, build, 0)
    pltpu.sync_copy(
        out_v.at[pl.ds(0, _PAIRS_PER_TILE), :],
        pair_sh.at[pl.ds(sid * _PAIRS_PER_TILE, _PAIRS_PER_TILE), :],
    )
    plsc.subcore_barrier()

    base0 = wid * e_per_w

    def chunk(t, c):
        base = base0 + t * _B
        pltpu.sync_copy(idxi_hbm.at[pl.ds(base, _B)], ii_v)
        pltpu.sync_copy(idxj_hbm.at[pl.ds(base, _B)], jj_v)

        def pgroup(g, c2):
            off = pl.multiple_of(g * 16, 16)
            iv = ii_v[pl.ds(off, 16)]
            jv = jj_v[pl.ds(off, 16)]
            wi = plsc.load_gather(charges_v, [lax.shift_right_logical(iv, 1)])
            wj = plsc.load_gather(charges_v, [lax.shift_right_logical(jv, 1)])
            ci = lax.shift_right_logical(
                wi, lax.shift_left(iv & 1, 4)) & 0xFFFF
            cj = lax.shift_right_logical(
                wj, lax.shift_left(jv & 1, 4)) & 0xFFFF
            pidx_v[pl.ds(off, 16)] = ci * _N_CHARGES + cj
            return c2

        lax.fori_loop(0, _B // 16, pgroup, 0)

        pltpu.async_copy(pair_sh.at[pidx_v], out_v, sem).wait()
        pltpu.sync_copy(out_v, out_hbm.at[pl.ds(base, _B)])
        return c

    lax.fori_loop(0, n_chunks, chunk, 0)


def kernel(flat_charges, nuc_nuc_idx, s_table, r_table):
    n_edges = nuc_nuc_idx.shape[1]
    assert n_edges % (_NW * _B) == 0

    mesh = plsc.VectorSubcoreMesh(core_axis_name="c", subcore_axis_name="s")
    run = pl.kernel(
        _body,
        mesh=mesh,
        compiler_params=pltpu.CompilerParams(
            use_tc_tiling_on_sc=False,
            needs_layout_passes=False,
        ),
        out_type=jax.ShapeDtypeStruct((n_edges, _OUT_DIM), jnp.float32),
        scratch_types=[
            pltpu.VMEM((flat_charges.shape[0] // 2,), jnp.int32),
            pltpu.VMEM((_B,), jnp.int32),
            pltpu.VMEM((_B,), jnp.int32),
            pltpu.VMEM((_B,), jnp.int32),
            pltpu.VMEM((_B, _OUT_DIM), jnp.float32),
            pltpu.VMEM((_N_CHARGES, _OUT_DIM), jnp.float32),
            pltpu.VMEM((_N_CHARGES, _OUT_DIM), jnp.float32),
            pltpu.VMEM_SHARED((_PAIRS, _OUT_DIM), jnp.float32),
            pltpu.SemaphoreType.DMA,
        ],
    )
    c = flat_charges.astype(jnp.uint32)
    packed = (c[0::2] | (c[1::2] << 16)).astype(jnp.int32)
    return run(packed, nuc_nuc_idx[0], nuc_nuc_idx[1], s_table, r_table)

# --- scband reference (transcript-rebuilt; emitter-appended) ---
"""Pipeline reference for scband-output-bias-52372831207657 (READ-ONLY COPY).

The authoritative reference and input builder live on the scoring server;
editing this copy changes nothing except your own understanding.
"""

import jax, jax.numpy as jnp
import numpy as np

N_CHARGES = 100
N_NUC = 50000
N_EDGES = 1600000
OUT_DIM = 32
STD = 0.1


def setup_inputs(seed: int = 0) -> dict:
    key = jax.random.key(seed)
    k1, k2, k3, k4 = jax.random.split(key, 4)
    flat_charges = jax.random.randint(k1, (N_NUC,), 0, N_CHARGES, dtype=jnp.int32)
    nuc_nuc_idx = jax.random.randint(k2, (2, N_EDGES), 0, N_NUC, dtype=jnp.int32)
    # Learned parameters: two nn.Embed tables (sender / receiver), sized per init_kwargs
    s_table = jax.random.normal(k3, (N_CHARGES, OUT_DIM), dtype=jnp.float32)
    r_table = jax.random.normal(k4, (N_CHARGES, OUT_DIM), dtype=jnp.float32)
    return {
        "flat_charges": flat_charges,
        "nuc_nuc_idx": nuc_nuc_idx,
        "s_table": s_table,
        "r_table": r_table,
    }


def reference(flat_charges, nuc_nuc_idx, s_table, r_table):
    # ParamTypes.NUCLEI_NUCLEI branch of OutputBias.__call__
    # s_emb = nn.Embed(n_charges, out_dim)(flat_charges)
    s_emb = jnp.take(s_table, flat_charges, axis=0)
    # r_emb = nn.Embed(n_charges, out_dim)(flat_charges)
    r_emb = jnp.take(r_table, flat_charges, axis=0)
    idx_i = nuc_nuc_idx[0]
    idx_j = nuc_nuc_idx[1]
    bias = (jnp.take(s_emb, idx_i, axis=0) + jnp.take(r_emb, idx_j, axis=0)) / jnp.sqrt(jnp.float32(2.0))
    # bias.reshape(-1, *shape) * std  with shape=(OUT_DIM,)
    return bias.reshape(-1, OUT_DIM) * jnp.float32(STD)

if __name__ == "__main__":
    import jax
    _d = setup_inputs()
    print(jax.jit(kernel)(*tuple(_d.values())))

</pallas_src>

<mosaic_0001>
#map = affine_map<(d0, d1) -> (0)>
#map1 = affine_map<(d0, d1) -> (0, 0)>
module attributes {stable_mosaic.version = 14 : i64} {
  func.func @_body(%arg0: i32, %arg1: i32, %arg2: memref<25000xi32, #tpu.memory_space<hbm>>, %arg3: memref<1600000xi32, #tpu.memory_space<hbm>>, %arg4: memref<1600000xi32, #tpu.memory_space<hbm>>, %arg5: memref<100x32xf32, #tpu.memory_space<hbm>>, %arg6: memref<100x32xf32, #tpu.memory_space<hbm>>, %arg7: memref<1600000x32xf32, #tpu.memory_space<hbm>>, %arg8: memref<25000xi32, #tpu.memory_space<vmem>>, %arg9: memref<2000xi32, #tpu.memory_space<vmem>>, %arg10: memref<2000xi32, #tpu.memory_space<vmem>>, %arg11: memref<2000xi32, #tpu.memory_space<vmem>>, %arg12: memref<2000x32xf32, #tpu.memory_space<vmem>>, %arg13: memref<100x32xf32, #tpu.memory_space<vmem>>, %arg14: memref<100x32xf32, #tpu.memory_space<vmem>>, %arg15: memref<10000x32xf32, #tpu.memory_space<vmem_shared>>, %arg16: memref<!tpu.dma_semaphore, #tpu.memory_space<semaphore_mem>>) attributes {dimension_semantics = [#tpu.dimension_semantics<core_parallel>, #tpu.dimension_semantics<subcore_parallel>], iteration_bounds = array<i64: 2, 16>, scalar_prefetch = 0 : i64, scratch_operands = 9 : i64, tpu.core_type = #tpu.core_type<sc_vector_subcore>, window_params = [{transform_indices = #map}, {transform_indices = #map}, {transform_indices = #map}, {transform_indices = #map1}, {transform_indices = #map1}, {transform_indices = #map1}]} {
    %mul3A = arith.constant 2 : i32
    %mul3A_0 = arith.muli %arg1, %mul3A : i32
    %add3A = arith.addi %mul3A_0, %arg0 : i32
    "tpu.region"() ({
      %run_scoped3A = tpu.sem_alloc : memref<!tpu.dma_semaphore, #tpu.memory_space<semaphore_mem>>
      tpu.enqueue_dma source(%arg5 : memref<100x32xf32, #tpu.memory_space<hbm>>) target(%arg13 : memref<100x32xf32, #tpu.memory_space<vmem>>) target_semaphore(%run_scoped3A : memref<!tpu.dma_semaphore, #tpu.memory_space<semaphore_mem>>)
      tpu.wait_dma2 semaphore(%run_scoped3A : memref<!tpu.dma_semaphore, #tpu.memory_space<semaphore_mem>>) src(%arg5 : memref<100x32xf32, #tpu.memory_space<hbm>>) dst(%arg13 : memref<100x32xf32, #tpu.memory_space<vmem>>)
      tpu.yield
    }) : () -> ()
    "tpu.region"() ({
      %run_scoped3A = tpu.sem_alloc : memref<!tpu.dma_semaphore, #tpu.memory_space<semaphore_mem>>
      tpu.enqueue_dma source(%arg6 : memref<100x32xf32, #tpu.memory_space<hbm>>) target(%arg14 : memref<100x32xf32, #tpu.memory_space<vmem>>) target_semaphore(%run_scoped3A : memref<!tpu.dma_semaphore, #tpu.memory_space<semaphore_mem>>)
      tpu.wait_dma2 semaphore(%run_scoped3A : memref<!tpu.dma_semaphore, #tpu.memory_space<semaphore_mem>>) src(%arg6 : memref<100x32xf32, #tpu.memory_space<hbm>>) dst(%arg14 : memref<100x32xf32, #tpu.memory_space<vmem>>)
      tpu.yield
    }) : () -> ()
    "tpu.region"() ({
      %run_scoped3A = tpu.sem_alloc : memref<!tpu.dma_semaphore, #tpu.memory_space<semaphore_mem>>
      tpu.enqueue_dma source(%arg2 : memref<25000xi32, #tpu.memory_space<hbm>>) target(%arg8 : memref<25000xi32, #tpu.memory_space<vmem>>) target_semaphore(%run_scoped3A : memref<!tpu.dma_semaphore, #tpu.memory_space<semaphore_mem>>)
      tpu.wait_dma2 semaphore(%run_scoped3A : memref<!tpu.dma_semaphore, #tpu.memory_space<semaphore_mem>>) src(%arg2 : memref<25000xi32, #tpu.memory_space<hbm>>) dst(%arg8 : memref<25000xi32, #tpu.memory_space<vmem>>)
      tpu.yield
    }) : () -> ()
    %scan3A = arith.constant 0 : i32
    %scan3A_1 = arith.constant 0 : i32
    %scan3A_2 = arith.constant 625 : i32
    %scan3A_3 = arith.addi %scan3A_1, %scan3A_2 : i32
    %scan3A_4 = arith.constant 1 : i32
    scf.for %scan3A_16 = %scan3A_1 to %scan3A_3 step %scan3A_4  : i32 {
      %mul3A_17 = arith.constant 625 : i32
      %mul3A_18 = arith.muli %arg1, %mul3A_17 : i32
      %add3A_19 = arith.addi %mul3A_18, %scan3A_16 : i32
      %jit3A = arith.constant 100 : i32
      %div3A = arith.divsi %add3A_19, %jit3A : i32
      %sign3A = arith.constant 0 : i32
      %sign3A_20 = arith.cmpi sgt, %add3A_19, %sign3A : i32
      %sign3A_21 = arith.extui %sign3A_20 : i1 to i32
      %sign3A_22 = arith.constant 0 : i32
      %sign3A_23 = arith.cmpi slt, %add3A_19, %sign3A_22 : i32
      %sign3A_24 = arith.extui %sign3A_23 : i1 to i32
      %sign3A_25 = arith.subi %sign3A_21, %sign3A_24 : i32
      %sign3A_26 = arith.constant 0 : i32
      %sign3A_27 = arith.cmpi sgt, %jit3A, %sign3A_26 : i32
      %sign3A_28 = arith.extui %sign3A_27 : i1 to i32
      %sign3A_29 = arith.constant 0 : i32
      %sign3A_30 = arith.cmpi slt, %jit3A, %sign3A_29 : i32
      %sign3A_31 = arith.extui %sign3A_30 : i1 to i32
      %sign3A_32 = arith.subi %sign3A_28, %sign3A_31 : i32
      %ne3A = arith.cmpi ne, %sign3A_25, %sign3A_32 : i32
      %rem3A = arith.remsi %add3A_19, %jit3A : i32
      %ne3A_33 = arith.constant 0 : i32
      %ne3A_34 = arith.cmpi ne, %rem3A, %ne3A_33 : i32
      %and3A = arith.andi %ne3A, %ne3A_34 : i1
      %sub3A = arith.constant 1 : i32
      %sub3A_35 = arith.subi %div3A, %sub3A : i32
      %select_n3A = arith.select %and3A, %sub3A_35, %div3A : i32
      %mul3A_36 = arith.constant 100 : i32
      %mul3A_37 = arith.muli %select_n3A, %mul3A_36 : i32
      %sub3A_38 = arith.subi %add3A_19, %mul3A_37 : i32
      %get3A = arith.index_cast %select_n3A : i32 to index
      %get3A_39 = arith.constant 0 : index
      %get3A_40 = tpu.vector_load %arg13[%get3A, %get3A_39] {strides = array<i32>} : memref<100x32xf32, #tpu.memory_space<vmem>>, vector<16xf32>,
      %get3A_41 = arith.index_cast %sub3A_38 : i32 to index
      %get3A_42 = arith.constant 0 : index
      %get3A_43 = tpu.vector_load %arg14[%get3A_41, %get3A_42] {strides = array<i32>} : memref<100x32xf32, #tpu.memory_space<vmem>>, vector<16xf32>,
      %add3A_44 = arith.addf %get3A_40, %get3A_43 : vector<16xf32>
      %mul3A_45 = arith.constant 0.0707106814 : f32
      %mul3A_46 = vector.broadcast %mul3A_45 : f32 to vector<16xf32>
      %mul3A_47 = arith.mulf %add3A_44, %mul3A_46 : vector<16xf32>
      %swap3A = arith.index_cast %scan3A_16 : i32 to index
      %swap3A_48 = arith.constant 0 : index
      %swap3A_49 = tpu.vector_load %arg12[%swap3A, %swap3A_48] {strides = array<i32>} : memref<2000x32xf32, #tpu.memory_space<vmem>>, vector<16xf32>,
      tpu.vector_store %arg12[%swap3A, %swap3A_48], %mul3A_47 {strides = array<i32>} : memref<2000x32xf32, #tpu.memory_space<vmem>>, vector<16xf32>,
      %get3A_50 = arith.index_cast %select_n3A : i32 to index
      %get3A_51 = arith.constant 16 : index
      %get3A_52 = tpu.vector_load %arg13[%get3A_50, %get3A_51] {strides = array<i32>} : memref<100x32xf32, #tpu.memory_space<vmem>>, vector<16xf32>,
      %get3A_53 = arith.index_cast %sub3A_38 : i32 to index
      %get3A_54 = arith.constant 16 : index
      %get3A_55 = tpu.vector_load %arg14[%get3A_53, %get3A_54] {strides = array<i32>} : memref<100x32xf32, #tpu.memory_space<vmem>>, vector<16xf32>,
      %add3A_56 = arith.addf %get3A_52, %get3A_55 : vector<16xf32>
      %mul3A_57 = arith.constant 0.0707106814 : f32
      %mul3A_58 = vector.broadcast %mul3A_57 : f32 to vector<16xf32>
      %mul3A_59 = arith.mulf %add3A_56, %mul3A_58 : vector<16xf32>
      %swap3A_60 = arith.index_cast %scan3A_16 : i32 to index
      %swap3A_61 = arith.constant 16 : index
      %swap3A_62 = tpu.vector_load %arg12[%swap3A_60, %swap3A_61] {strides = array<i32>} : memref<2000x32xf32, #tpu.memory_space<vmem>>, vector<16xf32>,
      tpu.vector_store %arg12[%swap3A_60, %swap3A_61], %mul3A_59 {strides = array<i32>} : memref<2000x32xf32, #tpu.memory_space<vmem>>, vector<16xf32>,
    }
    %scan3A_5 = arith.constant 625 : i32
    %mul3A_6 = arith.constant 625 : i32
    %mul3A_7 = arith.muli %arg1, %mul3A_6 : i32
    "tpu.region"() ({
      %run_scoped3A = tpu.sem_alloc : memref<!tpu.dma_semaphore, #tpu.memory_space<semaphore_mem>>
      %dma_start3A = arith.constant 0 : i32
      %dma_start3A_16 = arith.constant 0 : i32
      %dma_start3A_17 = tpu.memref_slice %arg12[%dma_start3A, %dma_start3A_16] : memref<2000x32xf32, #tpu.memory_space<vmem>> -> memref<625x32xf32, #tpu.memory_space<vmem>>
      %dma_start3A_18 = arith.constant 0 : i32
      %dma_start3A_19 = tpu.memref_slice %arg15[%mul3A_7, %dma_start3A_18] : memref<10000x32xf32, #tpu.memory_space<vmem_shared>> -> memref<625x32xf32, #tpu.memory_space<vmem_shared>>
      %dma_start3A_20 = arith.constant 0 : i32
      %dma_start3A_21 = tpu.memref_slice %arg15[%mul3A_7, %dma_start3A_20] : memref<10000x32xf32, #tpu.memory_space<vmem_shared>> -> memref<625x32xf32, #tpu.memory_space<vmem_shared>>
      %dma_start3A_22 = arith.constant 0 : i32
      %dma_start3A_23 = arith.constant 0 : i32
      %dma_start3A_24 = tpu.memref_slice %arg12[%dma_start3A_22, %dma_start3A_23] : memref<2000x32xf32, #tpu.memory_space<vmem>> -> memref<625x32xf32, #tpu.memory_space<vmem>>
      tpu.enqueue_dma source(%dma_start3A_24 : memref<625x32xf32, #tpu.memory_space<vmem>>) target(%dma_start3A_21 : memref<625x32xf32, #tpu.memory_space<vmem_shared>>) target_semaphore(%run_scoped3A : memref<!tpu.dma_semaphore, #tpu.memory_space<semaphore_mem>>)
      %dma_wait3A = arith.constant 0 : i32
      %dma_wait3A_25 = arith.constant 0 : i32
      %dma_wait3A_26 = tpu.memref_slice %arg12[%dma_wait3A, %dma_wait3A_25] : memref<2000x32xf32, #tpu.memory_space<vmem>> -> memref<625x32xf32, #tpu.memory_space<vmem>>
      %dma_wait3A_27 = arith.constant 0 : i32
      %dma_wait3A_28 = tpu.memref_slice %arg15[%mul3A_7, %dma_wait3A_27] : memref<10000x32xf32, #tpu.memory_space<vmem_shared>> -> memref<625x32xf32, #tpu.memory_space<vmem_shared>>
      %dma_wait3A_29 = arith.constant 0 : i32
      %dma_wait3A_30 = tpu.memref_slice %arg15[%mul3A_7, %dma_wait3A_29] : memref<10000x32xf32, #tpu.memory_space<vmem_shared>> -> memref<625x32xf32, #tpu.memory_space<vmem_shared>>
      %dma_wait3A_31 = arith.constant 0 : i32
      %dma_wait3A_32 = arith.constant 0 : i32
      %dma_wait3A_33 = tpu.memref_slice %arg12[%dma_wait3A_31, %dma_wait3A_32] : memref<2000x32xf32, #tpu.memory_space<vmem>> -> memref<625x32xf32, #tpu.memory_space<vmem>>
      tpu.wait_dma2 semaphore(%run_scoped3A : memref<!tpu.dma_semaphore, #tpu.memory_space<semaphore_mem>>) src(%dma_wait3A_33 : memref<625x32xf32, #tpu.memory_space<vmem>>) dst(%dma_wait3A_30 : memref<625x32xf32, #tpu.memory_space<vmem_shared>>)
      tpu.yield
    }) : () -> ()
    %barrier3A = arith.constant 0 : index
    tpu.barrier barrier_id(%barrier3A)
    %mul3A_8 = arith.constant 50000 : i32
    %mul3A_9 = arith.muli %add3A, %mul3A_8 : i32
    %scan3A_10 = arith.constant 0 : i32
    %scan3A_11 = arith.constant 0 : i32
    %scan3A_12 = arith.constant 25 : i32
    %scan3A_13 = arith.addi %scan3A_11, %scan3A_12 : i32
    %scan3A_14 = arith.constant 1 : i32
    scf.for %scan3A_16 = %scan3A_11 to %scan3A_13 step %scan3A_14  : i32 {
      %mul3A_17 = arith.constant 2000 : i32
      %mul3A_18 = arith.muli %scan3A_16, %mul3A_17 : i32
      %add3A_19 = arith.addi %mul3A_9, %mul3A_18 : i32
      "tpu.region"() ({
        %run_scoped3A = tpu.sem_alloc : memref<!tpu.dma_semaphore, #tpu.memory_space<semaphore_mem>>
        %dma_start3A_30 = tpu.memref_slice %arg3[%add3A_19] : memref<1600000xi32, #tpu.memory_space<hbm>> -> memref<2000xi32, #tpu.memory_space<hbm>>
        %dma_start3A_31 = tpu.memref_slice %arg3[%add3A_19] : memref<1600000xi32, #tpu.memory_space<hbm>> -> memref<2000xi32, #tpu.memory_space<hbm>>
        tpu.enqueue_dma source(%dma_start3A_31 : memref<2000xi32, #tpu.memory_space<hbm>>) target(%arg9 : memref<2000xi32, #tpu.memory_space<vmem>>) target_semaphore(%run_scoped3A : memref<!tpu.dma_semaphore, #tpu.memory_space<semaphore_mem>>)
        %dma_wait3A_32 = tpu.memref_slice %arg3[%add3A_19] : memref<1600000xi32, #tpu.memory_space<hbm>> -> memref<2000xi32, #tpu.memory_space<hbm>>
        %dma_wait3A_33 = tpu.memref_slice %arg3[%add3A_19] : memref<1600000xi32, #tpu.memory_space<hbm>> -> memref<2000xi32, #tpu.memory_space<hbm>>
        tpu.wait_dma2 semaphore(%run_scoped3A : memref<!tpu.dma_semaphore, #tpu.memory_space<semaphore_mem>>) src(%dma_wait3A_33 : memref<2000xi32, #tpu.memory_space<hbm>>) dst(%arg9 : memref<2000xi32, #tpu.memory_space<vmem>>)
        tpu.yield
      }) : () -> ()
      "tpu.region"() ({
        %run_scoped3A = tpu.sem_alloc : memref<!tpu.dma_semaphore, #tpu.memory_space<semaphore_mem>>
        %dma_start3A_30 = tpu.memref_slice %arg4[%add3A_19] : memref<1600000xi32, #tpu.memory_space<hbm>> -> memref<2000xi32, #tpu.memory_space<hbm>>
        %dma_start3A_31 = tpu.memref_slice %arg4[%add3A_19] : memref<1600000xi32, #tpu.memory_space<hbm>> -> memref<2000xi32, #tpu.memory_space<hbm>>
        tpu.enqueue_dma source(%dma_start3A_31 : memref<2000xi32, #tpu.memory_space<hbm>>) target(%arg10 : memref<2000xi32, #tpu.memory_space<vmem>>) target_semaphore(%run_scoped3A : memref<!tpu.dma_semaphore, #tpu.memory_space<semaphore_mem>>)
        %dma_wait3A_32 = tpu.memref_slice %arg4[%add3A_19] : memref<1600000xi32, #tpu.memory_space<hbm>> -> memref<2000xi32, #tpu.memory_space<hbm>>
        %dma_wait3A_33 = tpu.memref_slice %arg4[%add3A_19] : memref<1600000xi32, #tpu.memory_space<hbm>> -> memref<2000xi32, #tpu.memory_space<hbm>>
        tpu.wait_dma2 semaphore(%run_scoped3A : memref<!tpu.dma_semaphore, #tpu.memory_space<semaphore_mem>>) src(%dma_wait3A_33 : memref<2000xi32, #tpu.memory_space<hbm>>) dst(%arg10 : memref<2000xi32, #tpu.memory_space<vmem>>)
        tpu.yield
      }) : () -> ()
      %scan3A_20 = arith.constant 0 : i32
      %scan3A_21 = arith.constant 0 : i32
      %scan3A_22 = arith.constant 125 : i32
      %scan3A_23 = arith.addi %scan3A_21, %scan3A_22 : i32
      %scan3A_24 = arith.constant 1 : i32
      scf.for %scan3A_30 = %scan3A_21 to %scan3A_23 step %scan3A_24  : i32 {
        %mul3A_31 = arith.constant 16 : i32
        %mul3A_32 = arith.muli %scan3A_30, %mul3A_31 : i32
        %multiple_of3A = tpu.assume_multiple %mul3A_32, 16 : i32
        %get3A = arith.index_cast %multiple_of3A : i32 to index
        %get3A_33 = tpu.vector_load %arg9[%get3A] {strides = array<i32>} : memref<2000xi32, #tpu.memory_space<vmem>>, vector<16xi32>,
        %get3A_34 = arith.index_cast %multiple_of3A : i32 to index
        %get3A_35 = tpu.vector_load %arg10[%get3A_34] {strides = array<i32>} : memref<2000xi32, #tpu.memory_space<vmem>>, vector<16xi32>,
        %shift_right_logical3A = arith.constant 1 : i32
        %shift_right_logical3A_36 = vector.broadcast %shift_right_logical3A : i32 to vector<16xi32>
        %shift_right_logical3A_37 = arith.shrui %get3A_33, %shift_right_logical3A_36 : vector<16xi32>
        %gather3A = tpu.vector_load_idx %arg8[%shift_right_logical3A_37] : memref<25000xi32, #tpu.memory_space<vmem>>[vector<16xi32>], vector<16xi32>,
        %shift_right_logical3A_38 = arith.constant 1 : i32
        %shift_right_logical3A_39 = vector.broadcast %shift_right_logical3A_38 : i32 to vector<16xi32>
        %shift_right_logical3A_40 = arith.shrui %get3A_35, %shift_right_logical3A_39 : vector<16xi32>
        %gather3A_41 = tpu.vector_load_idx %arg8[%shift_right_logical3A_40] : memref<25000xi32, #tpu.memory_space<vmem>>[vector<16xi32>], vector<16xi32>,
        %and3A = arith.constant 1 : i32
        %and3A_42 = vector.broadcast %and3A : i32 to vector<16xi32>
        %and3A_43 = arith.andi %get3A_33, %and3A_42 : vector<16xi32>
        %shift_left3A = arith.constant 4 : i32
        %shift_left3A_44 = vector.broadcast %shift_left3A : i32 to vector<16xi32>
        %shift_left3A_45 = arith.shli %and3A_43, %shift_left3A_44 : vector<16xi32>
        %shift_right_logical3A_46 = arith.shrui %gather3A, %shift_left3A_45 : vector<16xi32>
        %and3A_47 = arith.constant 65535 : i32
        %and3A_48 = vector.broadcast %and3A_47 : i32 to vector<16xi32>
        %and3A_49 = arith.andi %shift_right_logical3A_46, %and3A_48 : vector<16xi32>
        %and3A_50 = arith.constant 1 : i32
        %and3A_51 = vector.broadcast %and3A_50 : i32 to vector<16xi32>
        %and3A_52 = arith.andi %get3A_35, %and3A_51 : vector<16xi32>
        %shift_left3A_53 = arith.constant 4 : i32
        %shift_left3A_54 = vector.broadcast %shift_left3A_53 : i32 to vector<16xi32>
        %shift_left3A_55 = arith.shli %and3A_52, %shift_left3A_54 : vector<16xi32>
        %shift_right_logical3A_56 = arith.shrui %gather3A_41, %shift_left3A_55 : vector<16xi32>
        %and3A_57 = arith.constant 65535 : i32
        %and3A_58 = vector.broadcast %and3A_57 : i32 to vector<16xi32>
        %and3A_59 = arith.andi %shift_right_logical3A_56, %and3A_58 : vector<16xi32>
        %mul3A_60 = arith.constant 100 : i32
        %mul3A_61 = vector.broadcast %mul3A_60 : i32 to vector<16xi32>
        %mul3A_62 = arith.muli %and3A_49, %mul3A_61 : vector<16xi32>
        %add3A_63 = arith.addi %mul3A_62, %and3A_59 : vector<16xi32>
        %swap3A = arith.index_cast %multiple_of3A : i32 to index
        %swap3A_64 = tpu.vector_load %arg11[%swap3A] {strides = array<i32>} : memref<2000xi32, #tpu.memory_space<vmem>>, vector<16xi32>,
        tpu.vector_store %arg11[%swap3A], %add3A_63 {strides = array<i32>} : memref<2000xi32, #tpu.memory_space<vmem>>, vector<16xi32>,
      }
      %scan3A_25 = arith.constant 125 : i32
      %dma_start3A = arith.constant 0 : i32
      %dma_start3A_26 = arith.constant 0 : i32
      %dma_start3A_27 = tpu.memref_slice %arg15[%dma_start3A, %dma_start3A_26] : memref<10000x32xf32, #tpu.memory_space<vmem_shared>> -> memref<10000x32xf32, #tpu.memory_space<vmem_shared>>
      tpu.enqueue_indirect_dma source(%dma_start3A_27 : memref<10000x32xf32, #tpu.memory_space<vmem_shared>>) target(%arg12 : memref<2000x32xf32, #tpu.memory_space<vmem>>) offsets(%arg11 : memref<2000xi32, #tpu.memory_space<vmem>>) semaphore(%arg16 : memref<!tpu.dma_semaphore, #tpu.memory_space<semaphore_mem>>)
      %dma_wait3A = arith.constant 0 : i32
      %dma_wait3A_28 = arith.constant 0 : i32
      %dma_wait3A_29 = tpu.memref_slice %arg15[%dma_wait3A, %dma_wait3A_28] : memref<10000x32xf32, #tpu.memory_space<vmem_shared>> -> memref<10000x32xf32, #tpu.memory_space<vmem_shared>>
      tpu.wait_indirect_dma semaphore(%arg16 : memref<!tpu.dma_semaphore, #tpu.memory_space<semaphore_mem>>) src(%dma_wait3A_29 : memref<10000x32xf32, #tpu.memory_space<vmem_shared>>) dst(%arg12 : memref<2000x32xf32, #tpu.memory_space<vmem>>)
      "tpu.region"() ({
        %run_scoped3A = tpu.sem_alloc : memref<!tpu.dma_semaphore, #tpu.memory_space<semaphore_mem>>
        %dma_start3A_30 = arith.constant 0 : i32
        %dma_start3A_31 = tpu.memref_slice %arg7[%add3A_19, %dma_start3A_30] : memref<1600000x32xf32, #tpu.memory_space<hbm>> -> memref<2000x32xf32, #tpu.memory_space<hbm>>
        %dma_start3A_32 = arith.constant 0 : i32
        %dma_start3A_33 = tpu.memref_slice %arg7[%add3A_19, %dma_start3A_32] : memref<1600000x32xf32, #tpu.memory_space<hbm>> -> memref<2000x32xf32, #tpu.memory_space<hbm>>
        tpu.enqueue_dma source(%arg12 : memref<2000x32xf32, #tpu.memory_space<vmem>>) target(%dma_start3A_33 : memref<2000x32xf32, #tpu.memory_space<hbm>>) target_semaphore(%run_scoped3A : memref<!tpu.dma_semaphore, #tpu.memory_space<semaphore_mem>>)
        %dma_wait3A_34 = arith.constant 0 : i32
        %dma_wait3A_35 = tpu.memref_slice %arg7[%add3A_19, %dma_wait3A_34] : memref<1600000x32xf32, #tpu.memory_space<hbm>> -> memref<2000x32xf32, #tpu.memory_space<hbm>>
        %dma_wait3A_36 = arith.constant 0 : i32
        %dma_wait3A_37 = tpu.memref_slice %arg7[%add3A_19, %dma_wait3A_36] : memref<1600000x32xf32, #tpu.memory_space<hbm>> -> memref<2000x32xf32, #tpu.memory_space<hbm>>
        tpu.wait_dma2 semaphore(%run_scoped3A : memref<!tpu.dma_semaphore, #tpu.memory_space<semaphore_mem>>) src(%arg12 : memref<2000x32xf32, #tpu.memory_space<vmem>>) dst(%dma_wait3A_37 : memref<2000x32xf32, #tpu.memory_space<hbm>>)
        tpu.yield
      }) : () -> ()
    }
    %scan3A_15 = arith.constant 25 : i32
    return
  }
}

</mosaic_0001>

<sc_bundles>
// kernel: kernel.3.cloned.1.call-start
scs
__scs_entry_jumppad:
0x0: {  	(pc) =	sbr.rel $0x88, $3  }
0x1: {  	(tag) =	ssettag $0x0;
	lr =	simm.s32 $0x1  }
0x2: {  	[smem:$0x3F9D] =	sst lr;
	_ =	strace $0xD0000000  }
0x3: {  	_ = 	snop  }
0x4: {  	_ = 	snop  }
0x5: {  	_ = 	snop  }
0x6: {  	_ = 	snop  }
0x7: {  	_ = 	snop  }
__scs_overlays_trampoline_lowered:
0x8: {  	[smem:$0x3FAC] =	sst s0  }
0x9: {  	[smem:$0x3FAD] =	sst s1  }
0xa: {  	[smem:$0x3FAE] =	sst s2  }
0xb: {  	[smem:$0x3FAF] =	sst s3  }
0xc: {  	[smem:$0x3FB0] =	sst s4  }
0xd: {  	[smem:$0x3FB1] =	sst s5  }
0xe: {  	[smem:$0x3FB2] =	sst s6  }
0xf: {  	[smem:$0x3FB3] =	sst s7  }
0x10: {  	[smem:$0x3FB4] =	sst s8  }
0x11: {  	[smem:$0x3FB5] =	sst s9;
	s0 =	simm.s32 @!p0 $0x0  }
0x12: {  	s1 =	sld [smem:$0x3F9B];
	s0 =	simm.s32 @p0 $0x1  }
0x13: {  	[smem:$0x3FB6] =	sst s0;
	s0 =	simm.s32 @!p1 $0x0  }
0x14: {  	s2 =	sld [smem:$0x3F9A];
	s0 =	simm.s32 @p1 $0x1  }
0x15: {  	[smem:$0x3FB7] =	sst s0;
	s0 =	simm.s32 @!p2 $0x0  }
0x16: {  	s3 =	sld [smem:$0x3FDB];
	s0 =	simm.s32 @p2 $0x1  }
0x17: {  	s4 =	simm.s32 $0x1BF5;
	[smem:$0x3FB9] =	sst s0  }
0x18: {  	s0 =	sld [smem:$0x3F9C];
	_ =	swait.ge [sflag:s4], $0x0  }
0x19: {  	s7 =	sld [smem:$0x3F9D]  }
0x1a: {  	s8 =	sadd.s32 $0xFFFFE003, lr  }
0x1b: {  	s9 =	sadd.s32 $0xFFFFFEF7, lr;
	s5 =	simm.s32 $0xFFFFFFFF;
	p2 =	slt.u32 s8, $0xFFFFF086  }
0x1c: {  	p1 =	slt.u32 s9, $0xF7A;
	s5 =	simm.s32 @!p2 $0x0  }
0x1d: {  	s5 =	simm.s32 @p1 $0x1;
	p0 =	seq.s32 s7, s2  }
0x1e: {  	s7 =	smul.u32 @!p0 $0xF7A, s2;
	p2 =	seq.s32 @!p0 s5, $0x0  }
0x1f: {  	s9 =	smul.u32 $0xF7A, s1;
	s8 =	simm.s32 @!p0 $0x1BF5;
	p2 =	por !p2, p0  }
0x20: {  	[sflag:s8] =	ssyncset.s32 @!p0 $0xFFFFF086;
	s6 =	sadd.s32 @!p0 s3, s7;
	s7 =	simm.s32 @!p0 $0x108  }
0x21: {  	s3 =	sadd.s32 s3, s9;
	s6 =	sadd.s32 @!p0 $0x88, s6;
	s7 =	simm.s32 @p2 $0x1082  }
0x22: {  	[simem:s7], [sflag:s8] =	dma.local @!p0 [hbm:s6], $0xF7A  }
0x23: {  	s9 =	sor.u32 $0xD0000000, s2;
	s6 =	simm.s32 $0x108;
	_ =	swait.ge @!p0 [sflag:s8], $0x0  }
0x24: {  	s3 =	sadd.s32 $0x88, s3;
	s6 =	simm.s32 @!p1 $0x1082;
	[sflag:s4] =	ssyncset.s32 $0xFFFFF086  }
0x25: {  	[simem:s6], [sflag:s4] =	dma.local [hbm:s3], $0xF7A  }
0x26: {  	[smem:$0x3F9D] =	sst s1;
	(tag) =	ssettag s2;
	_ =	strace s9  }
0x27: {  	s1 =	sld [smem:$0x3FAD]  }
0x28: {  	s2 =	sld [smem:$0x3FAE]  }
0x29: {  	s4 =	sld [smem:$0x3FB0]  }
0x2a: {  	p0 =	seq.s32 s5, $0x0;
	s5 =	sld [smem:$0x3FB1]  }
0x2b: {  	s6 =	sld [smem:$0x3FB2]  }
0x2c: {  	s7 =	sld [smem:$0x3FB3]  }
0x2d: {  	s3 =	simm.s32 $0x108;
	s8 =	sld [smem:$0x3FB4]  }
0x2e: {  	s3 =	simm.s32 @!p0 $0x1082;
	s9 =	sld [smem:$0x3FB5]  }
0x2f: {  	lr =	sadd.s32 s0, s3;
	s0 =	sld [smem:$0x3FAC]  }
0x30: {  	s3 =	sld [smem:$0x3FAF]  }
0x31: {  	[smem:$0x3FB8] =	sst s10  }
0x32: {  	s10 =	sld [smem:$0x3FB6];
	_ =	sdelay $0x3  }
0x33: {  	p0 =	seq.s32 s10, $0x1;
	s10 =	sld [smem:$0x3FB8];
	_ =	sdelay $0x3  }
0x34: {  	[smem:$0x3FB8] =	sst s10  }
0x35: {  	s10 =	sld [smem:$0x3FB7];
	_ =	sdelay $0x3  }
0x36: {  	p1 =	seq.s32 s10, $0x1;
	s10 =	sld [smem:$0x3FB8];
	_ =	sdelay $0x3  }
0x37: {  	[smem:$0x3FB8] =	sst s10  }
0x38: {  	s10 =	sld [smem:$0x3FB9]  }
0x39: {  	_ = 	snop;
	(pc) =	sbr.ind lr, $3  }
0x3a: {  	_ = 	snop  }
0x3b: {  	_ = 	snop  }
0x3c: {  	p2 =	seq.s32 s10, $0x1;
	s10 =	sld [smem:$0x3FB8]  }
0x3d: {  	_ =	shalt  }
0x3e: {  	_ =	shalt  }
0x3f: {  	_ =	shalt  }
0x40: {  	_ =	shalt  }
0x41: {  	_ =	shalt  }
0x42: {  	_ =	shalt  }
0x43: {  	_ =	shalt  }
0x44: {  	_ =	shalt  }
0x45: {  	_ =	shalt  }
0x46: {  	_ =	shalt  }
0x47: {  	_ =	shalt  }
0x48: {  	_ =	shalt  }
0x49: {  	_ =	shalt  }
0x4a: {  	_ =	shalt  }
0x4b: {  	_ =	shalt  }
0x4c: {  	_ =	shalt  }
0x4d: {  	_ =	shalt  }
0x4e: {  	_ =	shalt  }
0x4f: {  	_ =	shalt  }
0x50: {  	_ =	shalt  }
0x51: {  	_ =	shalt  }
0x52: {  	_ =	shalt  }
0x53: {  	_ =	shalt  }
0x54: {  	_ =	shalt  }
0x55: {  	_ =	shalt  }
0x56: {  	_ =	shalt  }
0x57: {  	_ =	shalt  }
0x58: {  	_ =	shalt  }
0x59: {  	_ =	shalt  }
0x5a: {  	_ =	shalt  }
0x5b: {  	_ =	shalt  }
0x5c: {  	_ =	shalt  }
0x5d: {  	_ =	shalt  }
0x5e: {  	_ =	shalt  }
0x5f: {  	_ =	shalt  }
0x60: {  	_ =	shalt  }
0x61: {  	_ =	shalt  }
0x62: {  	_ =	shalt  }
0x63: {  	_ =	shalt  }
0x64: {  	_ =	shalt  }
0x65: {  	_ =	shalt  }
0x66: {  	_ =	shalt  }
0x67: {  	_ =	shalt  }
0x68: {  	_ =	shalt  }
0x69: {  	_ =	shalt  }
0x6a: {  	_ =	shalt  }
0x6b: {  	_ =	shalt  }
0x6c: {  	_ =	shalt  }
0x6d: {  	_ =	shalt  }
0x6e: {  	_ =	shalt  }
0x6f: {  	_ =	shalt  }
0x70: {  	_ =	shalt  }
0x71: {  	_ =	shalt  }
0x72: {  	_ =	shalt  }
0x73: {  	_ =	shalt  }
0x74: {  	_ =	shalt  }
0x75: {  	_ =	shalt  }
0x76: {  	_ =	shalt  }
0x77: {  	_ =	shalt  }
0x78: {  	_ =	shalt  }
0x79: {  	_ =	shalt  }
0x7a: {  	_ =	shalt  }
0x7b: {  	_ =	shalt  }
0x7c: {  	_ =	shalt  }
0x7d: {  	_ =	shalt  }
0x7e: {  	_ =	shalt  }
0x7f: {  	_ =	shalt  }
0x80: {  	_ =	shalt  }
0x81: {  	_ =	shalt  }
0x82: {  	_ =	shalt  }
0x83: {  	_ =	shalt  }
0x84: {  	_ =	shalt  }
0x85: {  	_ =	shalt  }
0x86: {  	_ =	shalt  }
0x87: {  	_ =	shalt  }
.Lfunc_end0:
.L_simem_size_0:
called_computation.1_lowered:
.L_overlay_start_0:
0x88: {  	s2 =	sld [smem:$0x3FD9]  }
0x89: {  	s3 =	sld [smem:$0x3FFE];
	_ =	sdelay $0x1  }
0x8a: {  	s1 =	srdreg.scid  }
0x8b: {  	s0 =	sand.u32 $0x1, s1  }
0x8c: {  	s17 =	sshll.u32 s0, $0xA;
	s2 =	sadd.s32 s3, s2  }
0x8d: {  	s2 =	sadd.s32 s2, s17  }
0x8e: {  	[smem:$0x3FC4] =	sst s2  }
0x8f: {  	_ = 	snop  }
0x90: {  	s2 =	sld [smem:$0x3FD0];
	(tm) =	ssettm $0x1  }
0x91: {  	s18 =	sld [smem:$0x3FFB];
	_ =	sdelay $0x3  }
0x92: {  	_ =	strace s18  }
0x93: {  	s3 =	sld [smem:$0x3FFC];
	_ =	sdelay $0x3  }
0x94: {  	_ =	strace s3  }
0x95: {  	s3 =	sld [smem:$0x3FFD];
	_ =	sdelay $0x3  }
0x96: {  	_ =	strace s3  }
0x97: {  	_ =	strace $0x8FFFFFFF  }
0x98: {  	s19 =	sld [smem:$0x3FDB];
	_ =	sdelay $0x1  }
0x99: {  	s4 =	simm.s32 $_scs_section_size  }
0x9a: {  	s5 =	simm.s32 $_size__tile_overlayer_lowered;
	s6 =	simm.s32 $_tile_overlayer_lowered  }
0x9b: {  	s22 =	simm.s32 $0x1BFF;
	s21 =	sshll.u32 s6, $0x1;
	s3 =	sadd.s32 s4, s19  }
0x9c: {  	s7 =	simm.s32 $0x0;
	s20 =	sshll.u32 s5, $0x1;
	s5 =	sadd.s32 s21, s3  }
0x9d: {  	[timem:s7], [sflag:s22] =	dma.local [hbm:s5], s20  }
0x9e: {  	_ =	swait.ge [sflag:s22], s20  }
0x9f: {  	s4 =	ssub.s32 $0x0, s20;
	[sflag:s22] =	ssyncset.done $0x0  }
0xa0: {  	[sflag:s22] =	ssyncadd.s32 s4;
	_ =	sdelay $0x1  }
0xa1: {  	s23 =	simm.s32 $0x1B8B  }
0xa2: {  	_ =	swait.ge [sflag:s23], $0x1  }
0xa3: {  	[sflag:s23] =	ssyncset.done $0x0  }
0xa4: {  	s25 =	simm.s32 $0x1B8E;
	s24 =	sld [smem:$0x3FFE];
	[sflag:s23] =	ssyncadd.s32 $0xFFFFFFFF  }
0xa5: {  	s26 =	simm.s32 $execute0_lowered;
	[smem:$0x3FD2] =	sst s25  }
0xa6: {  	s5 =	sshll.u32 s26, $0x1;
	_ =	strace $0x80000046;
	[dreg:$0x1] =	wrdreg $0xFFFFFFFF  }
0xa7: {  	s28 =	simm.s32 $_size_execute0_lowered;
	s3 =	sadd.s32 s3, s5;
	[dreg:$0x0] =	wrdreg $0x0  }
0xa8: {  	s5 =	sshll.u32 s28, $0x1;
	[dreg:$0x2] =	wrdreg s3  }
0xa9: {  	[dreg:$0x3] =	wrdreg s5  }
0xaa: {  	[dreg:$0x4] =	wrdreg $0xC0  }
0xab: {  	_ =	task [dreg:s7], $0x5FFFF  }
0xac: {  	[dreg:$0x1] =	wrdreg $0xFFFFFFFF  }
0xad: {  	[dreg:$0x0] =	wrdreg $0x60  }
0xae: {  	[dreg:$0x2] =	wrdreg s24  }
0xaf: {  	[dreg:$0x3] =	wrdreg s2  }
0xb0: {  	[dreg:$0x4] =	wrdreg $0x18C180  }
0xb1: {  	[dreg:$0x5] =	wrdreg $0x9  }
0xb2: {  	_ =	task.clear_ibuf [dreg:s7], $0x6FFFF;
	_ =	strace $0x90000046  }
0xb3: {  	s29 =	simm.s32 $0x9;
	_ =	strace $0x80000048  }
0xb4: {  	_ =	swait.ge [sflag:s29], $0x1  }
0xb5: {  	[sflag:s29] =	ssyncadd.s32 $0xFFFFFFFF  }
0xb6: {  	_ =	strace $0x90000048  }
0xb7: {  	_ =	sfence  }
0xb8: {  	s30 =	sld [smem:$0x0];
	_ =	sdelay $0x2  }
0xb9: {  	s31 =	sshll.u32 s1, $0xD;
	s1 =	sshrl.u32 s1, $0x2  }
0xba: {  	s3 =	sand.u32 $0x4000, s31;
	s1 =	sadd.s32 s1, s30  }
0xbb: {  	s0 =	sor.u32 s3, s0;
	s1 =	sshll.u32 s1, $0x11  }
0xbc: {  	s0 =	sor.u32 s1, s0  }
0xbd: {  	s0 =	sadd.s32 $0x8F2B, s0  }
0xbe: {  	[sflag:s0] =	ssyncadd.remote.s32 $0x1  }
0xbf: {  	_ =	sfence.sel $0xFFFF  }
0xc0: {  	[dreg:$0x0] =	wrdreg $0xFFFFFFFF;
	(pc) =	sbr.abs _section_cstart, $3  }
0xc1: {  	[dreg:$0x1] =	wrdreg $0xFFFFFFFF  }
0xc2: {  	_ =	task.clear_ibuf [dreg:s7], $0x2FFFF;
	_ =	strace $0x9FFFFFFF  }
0xc3: {  	(tm) =	ssettm $0x7FFFFFFF  }
tec
execute0_lowered:
.L_overlay_start_1:
0x0: {  	(tag) =	ssettag $0x1  }
0x1: {  	s1 =	rddreg [dreg:$0x0]  }
0x2: {  	s2 =	rddreg [dreg:$0x1]  }
0x3: {  	s3 =	rddreg [dreg:$0x2];
	s4 =	simm.s32 $0x0  }
0x4: {  	s0 =	srdreg.scid;
	s5 =	stileid.u32;
	s16 =	simm.s32 $0x2  }
0x5: {  	s17 =	simm.s32 $0x17F98;
	s18 =	simm.s32 $0x7918;
	s19 =	simm.s32 $0x61A8  }
0x6: {  	s20 =	simm.s32 $0x6978;
	s21 =	simm.s32 $0x7D0;
	s22 =	simm.s32 $0x7148  }
0x7: {  	s23 =	simm.s32 $0x1;
	s24 =	simm.s32 $0x0;
	[smem:$0x7FF] =	sst s4  }
0x8: {  	s6 =	sadd.s32 $0x62000, s1;
	s7 =	sadd.s32 $0x31200, s1;
	s0 =	sand.u32 $0x1, s0  }
0x9: {  	s8 =	sadd.s32 $0x400, s1;
	s12 =	smul.u32 $0x13880, s5;
	s9 =	sadd.s32 $0x200, s1  }
0xa: {  	s10 =	sshll.u32 s5, $0x1;
	_ =	strace $0x80000047;
	s11 =	ssub.s32 $0x2, s0  }
0xb: {  	s0 =	sor.u32 s0, s10;
	s10 =	smul.u32 $0x271, s5;
	s13 =	sshrl.u32 s11, $0x1  }
0xc: {  	s14 =	sshrl.u32 s12, $0x2;
	s12 =	smul.u32 $0xC350, s0;
	s13 =	ssub.s32 s11, s13  }
0xd: {  	s11 =	sadd.s32 s14, s3;
	s14 =	sadd.s32 $0x17F98, s14;
	s13 =	smax.u32 s13, $0x1  }
.LBB2_1:
0xe: {  	s0 =	simm.s32 $0x17318  }
0xf: {  	[tilespmem:s0], [sflag:$0x2] =	stream.linear.gather [hbm4b:s1+s4], $0xC80, $0x38;
	[tilespmem:$0x1DA38] =	vst v63  }
0x10: {  	_ =	swait.ge [sflag:s16], $0xC80  }
0x11: {  	[sflag:s16] =	ssyncset.done $0x0  }
0x12: {  	[sflag:s16] =	ssyncadd.s32 $0xFFFFF380  }
0x13: {  	[tilespmem:s17], [sflag:$0x2] =	stream.linear.gather [hbm4b:s9+s4], $0xC80, $0x38;
	[tilespmem:$0x1DA38] =	vst v63  }
0x14: {  	s26 =	smulhi.u32 $0x51EB851F, s10;
	_ =	swait.ge [sflag:s16], $0xC80  }
0x15: {  	s25 =	sadd.s32 $0x0, s10;
	[sflag:s16] =	ssyncset.done $0x0  }
0x16: {  	s25 =	smulhi.u32 $0x51EB851F, s25;
	s0 =	sshrl.u32 s26, $0x5;
	[sflag:s16] =	ssyncadd.s32 $0xFFFFF380  }
0x17: {  	[tilespmem:s4], [sflag:$0x2] =	stream.linear.gather [hbm4b:s6+s4], $0x61A8, $0x38;
	[tilespmem:$0x1DA38] =	vst v63  }
0x18: {  	s0 =	smul.u32 $0xFFFFCE00, s0;
	_ =	swait.ge [sflag:s16], $0x61A8  }
0x19: {  	[sflag:s16] =	ssyncset.done $0x0  }
0x1a: {  	s25 =	sand.u32 $0x3FFFFFE0, s25;
	s0 =	sshra.s32 s0, $0x2;
	[sflag:s16] =	ssyncadd.s32 $0xFFFF9E58  }
0x1b: {  	s0 =	sadd.s32 s0, s14;
	v0 =	vld [tilespmem:s25+$0x17318]  }
0x1c: {  	v1 =	vld [tilespmem:s0+$0x0];
	_ =	sdelay $0x4  }
0x1d: {  	v0 =	vadd.f32 v1, v0;
	_ =	sdelay $0x1  }
0x1e: {  	v0 =	vmul.f32 $7.071068140e-02, v0  }
0x1f: {  	s26 =	simm.s32 $0x7928  }
0x20: {  	[tilespmem:s26+$0xFFFFFFF0] =	vst v0  }
0x21: {  	v0 =	vld [tilespmem:s25+$0x17328]  }
0x22: {  	v1 =	vld [tilespmem:s0+$0x10]  }
0x23: {  	s28 =	sadd.s32 $0x1, s10  }
0x24: {  	s5 =	smulhi.u32 $0x51EB851F, s28;
	_ =	sdelay $0x1  }
0x25: {  	s31 =	simm.s32 $0x2;
	s29 =	smov.u32 s14;
	s15 =	sshrl.u32 s5, $0x5  }
0x26: {  	s30 =	smul.u32 $0xFFFFCE00, s15;
	s0 =	sadd.s32 $0x1, s10;
	s25 =	simm.s32 $0x7948;
	v0 =	vadd.f32 v1, v0  }
.LBB2_2:
0x27: {  	s0 =	smulhi.u32 $0x51EB851F, s0  }
0x28: {  	v0 =	vmul.f32 $7.071068140e-02, v0;
	s29 =	sadd.s32 $0x20, s29;
	s5 =	smov.u32 s31;
	s15 =	sadd.s32 $0x1, s31  }
0x29: {  	p0 =	sne.s32 s31, $0x270;
	s30 =	sshra.s32 s30, $0x2  }
0x2a: {  	s30 =	sadd.s32 s30, s29;
	s0 =	sand.u32 $0x3FFFFFE0, s0;
	[tilespmem:s26+$0x0] =	vst v0;
	s26 =	smov.u32 s25  }
0x2b: {  	v0 =	vld [tilespmem:s0+$0x17318]  }
0x2c: {  	v1 =	vld [tilespmem:s30+$0x0];
	_ =	sdelay $0x4  }
0x2d: {  	v0 =	vadd.f32 v1, v0;
	_ =	sdelay $0x1  }
0x2e: {  	v0 =	vmul.f32 $7.071068140e-02, v0;
	_ =	sdelay $0x1  }
0x2f: {  	[tilespmem:s25+$0xFFFFFFF0] =	vst v0  }
0x30: {  	v0 =	vld [tilespmem:s0+$0x17328]  }
0x31: {  	v1 =	vld [tilespmem:s30+$0x10];
	_ =	sdelay $0x1  }
.Ltmp0:
0x32: {  	s28 =	sadd.s32 $0x1, s28;
	(pc) =	sbr.rel @p0 .LBB2_2-.Ltmp0, $3  }
0x33: {  	s0 =	smulhi.u32 $0x51EB851F, s28;
	_ =	sdelay $0x1  }
0x34: {  	s30 =	sshrl.u32 s0, $0x5;
	s0 =	sadd.s32 s5, s10;
	v0 =	vadd.f32 v1, v0  }
0x35: {  	s31 =	smov.u32 s15;
	s25 =	sadd.s32 $0x20, s25;
	s30 =	smul.u32 $0xFFFFCE00, s30  }
0x36: {  	s0 =	smulhi.u32 $0x51EB851F, s0;
	v0 =	vmul.f32 $7.071068140e-02, v0;
	_ =	sdelay $0x1  }
0x37: {  	s5 =	sadd.s32 $0x20, s29;
	s15 =	sshra.s32 s30, $0x2;
	s0 =	sand.u32 $0x3FFFFFE0, s0;
	[tilespmem:s26+$0x0] =	vst v0  }
0x38: {  	s5 =	sadd.s32 s15, s5;
	v0 =	vld [tilespmem:s0+$0x17318]  }
0x39: {  	v1 =	vld [tilespmem:s5+$0x0];
	_ =	sdelay $0x4  }
0x3a: {  	v0 =	vadd.f32 v1, v0;
	_ =	sdelay $0x1  }
0x3b: {  	v0 =	vmul.f32 $7.071068140e-02, v0;
	_ =	sdelay $0x1  }
0x3c: {  	[tilespmem:s25+$0xFFFFFFF0] =	vst v0  }
0x3d: {  	v0 =	vld [tilespmem:s0+$0x17328]  }
0x3e: {  	v63 =	vld [tilespmem:s5+$0x10];
	_ =	sdelay $0x4  }
0x3f: {  	v0 =	vadd.f32 v63, v0;
	_ =	sdelay $0x1  }
0x40: {  	v0 =	vmul.f32 $7.071068140e-02, v0;
	_ =	sdelay $0x1  }
0x41: {  	[tilespmem:s25+$0x0] =	vst v0  }
0x42: {  	[spmem:s11] =	stream.linear.scatter [tilespmem:s18], [sflag:$0x2], $0x4E20, $0x38;
	[tilespmem:$0x1DA38] =	vst v63  }
0x43: {  	_ =	swait.ge [sflag:s16], $0x4E20  }
0x44: {  	[sflag:s16] =	ssyncset.done $0x0  }
0x45: {  	[sflag:s16] =	ssyncadd.s32 $0xFFFFB1E0  }
0x46: {  	s26 =	simm.s32 $0x0;
	s25 =	simm.s32 $0x0;
	[bflag:$0x0] =	sbarrier.arrive $0xFFFF  }
.LBB2_4:
0x47: {  	s0 =	smul.u32 $0x7D0, s26;
	_ =	sdelay $0x1  }
0x48: {  	s28 =	sadd.s32 s12, s0  }
0x49: {  	s0 =	sshrl.u32 s28, $0x3  }
0x4a: {  	s5 =	sadd.s32 s7, s0  }
0x4b: {  	[tilespmem:s19], [sflag:$0x2] =	stream.linear.gather [hbm4b:s5+s25], $0x7D0, $0x38;
	[tilespmem:$0x1DA38] =	vst v63  }
0x4c: {  	_ =	swait.ge [sflag:s16], $0x7D0  }
0x4d: {  	[sflag:s16] =	ssyncset.done $0x0  }
0x4e: {  	s0 =	sadd.s32 s8, s0;
	[sflag:s16] =	ssyncadd.s32 $0xFFFFF830  }
0x4f: {  	[tilespmem:s20], [sflag:$0x2] =	stream.linear.gather [hbm4b:s0+s25], $0x7D0, $0x38;
	[tilespmem:$0x1DA38] =	vst v63  }
0x50: {  	_ =	swait.ge [sflag:s16], $0x7D0  }
0x51: {  	[sflag:s16] =	ssyncset.done $0x0  }
0x52: {  	s30 =	simm.s32 $0x0;
	[sflag:s16] =	ssyncadd.s32 $0xFFFFF830  }
0x53: {  	v0 =	vld [tilespmem:s30+$0x61A8];
	_ =	sdelay $0x1  }
0x54: {  	v1 =	vld [tilespmem:s30+$0x6978];
	_ =	sdelay $0x2  }
0x55: {  	v2 =	vshrl.u32 v0, $0x1;
	_ =	sdelay $0x1  }
0x56: {  	v4 =	vshrl.u32 v1, $0x1;
	_ =	sdelay $0x2  }
0x57: {  	s29 =	simm.s32 $0x10;
	v3 =	vld.idx.msk [tilespmem:v2+s4+$0x0], $0xffff  }
0x58: {  	s31 =	simm.s32 $0x80;
	v2 =	vld [tilespmem:s29+$0x61A8]  }
.LBB2_5:
0x59: {  	p0 =	sne.s32 s31, $0x1F00;
	v4 =	vld.idx.msk [tilespmem:v4+s4+$0x0], $0xffff;
	_ =	sdelay $0x1  }
0x5a: {  	v7 =	vshll.u32 v0, $0x4;
	v5 =	vld [tilespmem:s29+$0x6978]  }
0x5b: {  	v6 =	vand.u32 $0x10, v7  }
0x5c: {  	v1 =	vshll.u32 v1, $0x4;
	v3 =	vshrl.u32 v3, v6;
	v0 =	vmov v2  }
0x5d: {  	v8 =	vand.u32 $0x10, v1;
	v3 =	vand.u32 $0xFFFF, v3;
	v2 =	vshrl.u32 v0, $0x1  }
0x5e: {  	v7 =	vshrl.u32 v4, v8;
	v3 =	vmul.u32 $0x64, v3  }
.Ltmp1:
0x5f: {  	v6 =	vand.u32 $0xFFFF, v7;
	v4 =	vshrl.u32 v5, $0x1;
	v1 =	vmov v5;
	(pc) =	sbr.rel @p0 .LBB2_5-.Ltmp1, $4  }
0x60: {  	v3 =	vadd.s32 v6, v3  }
0x61: {  	[tilespmem:s30+$0x7148] =	vst v3;
	s30 =	smov.u32 s29  }
0x62: {  	s29 =	sshra.s32 s31, $0x2;
	v3 =	vld.idx.msk [tilespmem:v2+s4+$0x0], $0xffff  }
0x63: {  	s31 =	sadd.s32 $0x40, s31;
	v2 =	vld [tilespmem:s29+$0x61A8]  }
0x64: {  	_ =	sdelay $0x3  }
0x65: {  	v4 =	vld.idx.msk [tilespmem:v4+s4+$0x0], $0xffff  }
0x66: {  	v5 =	vld [tilespmem:s29+$0x6978];
	v0 =	vshll.u32 v0, $0x4  }
0x67: {  	v0 =	vand.u32 $0x10, v0  }
0x68: {  	v1 =	vshll.u32 v1, $0x4;
	v0 =	vshrl.u32 v3, v0  }
0x69: {  	v1 =	vand.u32 $0x10, v1;
	v59 =	vshrl.u32 v2, $0x1;
	v0 =	vand.u32 $0xFFFF, v0  }
0x6a: {  	v1 =	vshrl.u32 v4, v1;
	v0 =	vmul.u32 $0x64, v0  }
0x6b: {  	v60 =	vshrl.u32 v5, $0x1;
	v1 =	vand.u32 $0xFFFF, v1  }
0x6c: {  	v0 =	vadd.s32 v1, v0  }
0x6d: {  	[tilespmem:s30+$0x7148] =	vst v0  }
0x6e: {  	v0 =	vld.idx.msk [tilespmem:v59+s4+$0x0], $0xffff;
	_ =	sdelay $0x1  }
0x6f: {  	v61 =	vld.idx.msk [tilespmem:v60+s4+$0x0], $0xffff  }
0x70: {  	v62 =	vshll.u32 v2, $0x4  }
0x71: {  	v2 =	vand.u32 $0x10, v62  }
0x72: {  	v63 =	vshll.u32 v5, $0x4;
	v0 =	vshrl.u32 v0, v2  }
0x73: {  	v2 =	vand.u32 $0x10, v63;
	v0 =	vand.u32 $0xFFFF, v0  }
0x74: {  	v1 =	vshrl.u32 v61, v2;
	v0 =	vmul.u32 $0x64, v0  }
0x75: {  	v1 =	vand.u32 $0xFFFF, v1  }
0x76: {  	v0 =	vadd.s32 v1, v0  }
0x77: {  	[tilespmem:s29+$0x7148] =	vst v0  }
0x78: {  	[tilespmem:s18], [sflag:$0x1] =	stream.indirect.gather [spmem:s3], $0x20, s22, s21, $0xb8;
	[tilespmem:$0x1DA38] =	vst v63  }
0x79: {  	s26 =	sadd.s32 $0x1, s26;
	_ =	swait.ge [sflag:s23], $0xFA00  }
0x7a: {  	s0 =	sshll.u32 s28, $0x2;
	p0 =	sne.s32 s26, $0x19;
	[sflag:s23] =	ssyncset.done $0x0  }
.Ltmp2:
0x7b: {  	s0 =	sadd.s32 s2, s0;
	[sflag:s23] =	ssyncadd.s32 $0xFFFF0600;
	(pc) =	sbr.rel @p0 .LBB2_4-.Ltmp2, $4  }
0x7c: {  	[hbm4b:s0+s4] =	stream.linear.scatter [tilespmem:s18], [sflag:$0x2], $0xFA00, $0x38;
	[tilespmem:$0x1DA38] =	vst v63  }
0x7d: {  	_ =	swait.ge [sflag:s16], $0xFA00  }
0x7e: {  	[sflag:s16] =	ssyncset.done $0x0  }
0x7f: {  	[sflag:s16] =	ssyncadd.s32 $0xFFFF0600  }
0x80: {  	s24 =	sadd.s32 $0x1, s24  }
0x81: {  	p0 =	sne.s32 s24, s13  }
.Ltmp3:
0x82: {  	_ = 	snop;
	(pc) =	sbr.rel @p0 .LBB2_1-.Ltmp3, $1  }
0x83: {  	_ =	sdelay $0x3  }
0x84: {  	_ =	sfence.sel $0x180000  }
0x85: {  	[bflag:$0x0] =	sbarrier.arrive $0xFFFF  }
0x86: {  	_ =	strace $0x90000047  }
0x87: {  	s0 =	stileid.u32;
	[bflag:$0x2] =	sbarrier.arrive $0xFFFF  }
0x88: {  	p0 =	sne.s32 s0, $0x0;
	s0 =	rddreg [dreg:$0x3]  }
0x89: {  	s0 =	sadd.s32 @!p0 $0x100000, s0  }
0x8a: {  	[sflag:s0] =	ssyncadd.tile.s32 @!p0 $0x1;
	_ =	shalt  }
.Lfunc_end2:
_tile_overlayer_lowered:
.L_overlay_start_2:
0x8b: {  	(tag) =	ssettag $0x2  }
0x8c: {  	s0 =	rddreg [dreg:$0x0];
	s2 =	stileid.u32  }
0x8d: {  	s1 =	rddreg [dreg:$0x1];
	p0 =	sne.s32 s2, $0x0  }
0x8e: {  	s3 =	rddreg [dreg:$0x2];
	[bflag:$0x3] =	sbarrier.arrive $0xFFFF;
	s2 =	simm.s32 @!p0 $0x1C02  }
0x8f: {  	[timem:s3], [sflag:s2] =	dma.local @!p0 [hbm:s0], s1  }
0x90: {  	s0 =	simm.s32 @!p0 $0x2  }
0x91: {  	_ =	swait.ge @!p0 [sflag:s0], s1  }
0x92: {  	s1 =	ssub.s32 @!p0 $0x0, s1;
	[sflag:s0] =	ssyncset.done @!p0 $0x0  }
0x93: {  	[sflag:s0] =	ssyncadd.s32 @!p0 s1  }
0x94: {  	[bflag:$0x3] =	sbarrier.arrive $0xFFFF  }
0x95: {  	_ =	shalt  }

// kernel: sparse-core-data-format-call.cloned.1.call-start
scs
called_computation_lowered:
.L_overlay_start_0:
0x0: {  	s2 =	sld [smem:$0x3FD9]  }
0x1: {  	s3 =	sld [smem:$0x3FFE];
	_ =	sdelay $0x1  }
0x2: {  	s1 =	srdreg.scid  }
0x3: {  	s0 =	sand.u32 $0x1, s1  }
0x4: {  	s18 =	sshll.u32 s0, $0xA;
	s2 =	sadd.s32 s3, s2  }
0x5: {  	s2 =	sadd.s32 s2, s18  }
0x6: {  	[smem:$0x3FC4] =	sst s2  }
0x7: {  	_ = 	snop  }
0x8: {  	s2 =	sld [smem:$0x3FD0];
	(tm) =	ssettm $0x1  }
0x9: {  	s19 =	sld [smem:$0x3FFB];
	_ =	sdelay $0x3  }
0xa: {  	_ =	strace s19  }
0xb: {  	s3 =	sld [smem:$0x3FFC];
	_ =	sdelay $0x3  }
0xc: {  	_ =	strace s3  }
0xd: {  	s3 =	sld [smem:$0x3FFD];
	_ =	sdelay $0x3  }
0xe: {  	_ =	strace s3  }
0xf: {  	_ =	strace $0x8FFFFFFF  }
0x10: {  	s20 =	sld [smem:$0x3FDB];
	_ =	sdelay $0x1  }
0x11: {  	s4 =	simm.s32 $_scs_section_size  }
0x12: {  	s5 =	simm.s32 $_size__tile_overlayer_lowered;
	s6 =	simm.s32 $_tile_overlayer_lowered  }
0x13: {  	s23 =	simm.s32 $0x1BFF;
	s22 =	sshll.u32 s6, $0x1;
	s3 =	sadd.s32 s4, s20  }
0x14: {  	s7 =	simm.s32 $0x0;
	s21 =	sshll.u32 s5, $0x1;
	s5 =	sadd.s32 s22, s3  }
0x15: {  	[timem:s7], [sflag:s23] =	dma.local [hbm:s5], s21  }
0x16: {  	_ =	swait.ge [sflag:s23], s21  }
0x17: {  	s4 =	ssub.s32 $0x0, s21;
	[sflag:s23] =	ssyncset.done $0x0  }
0x18: {  	[sflag:s23] =	ssyncadd.s32 s4;
	_ =	sdelay $0x1  }
0x19: {  	s24 =	simm.s32 $0x1B8B  }
0x1a: {  	_ =	swait.ge [sflag:s24], $0x1  }
0x1b: {  	[sflag:s24] =	ssyncset.done $0x0  }
0x1c: {  	s26 =	simm.s32 $0x1B8E;
	s25 =	sld [smem:$0x3FFE];
	[sflag:s24] =	ssyncadd.s32 $0xFFFFFFFF  }
0x1d: {  	s27 =	simm.s32 $execute0_lowered;
	[smem:$0x3FD2] =	sst s26  }
0x1e: {  	s5 =	sshll.u32 s27, $0x1;
	_ =	strace $0x80000049;
	[dreg:$0x1] =	wrdreg $0xFFFFFFFF  }
0x1f: {  	s28 =	simm.s32 $_size_execute0_lowered;
	s3 =	sadd.s32 s3, s5;
	[dreg:$0x0] =	wrdreg $0x0  }
0x20: {  	s5 =	sshll.u32 s28, $0x1;
	[dreg:$0x2] =	wrdreg s3  }
0x21: {  	[dreg:$0x3] =	wrdreg s5  }
0x22: {  	[dreg:$0x4] =	wrdreg $0xC0  }
0x23: {  	_ =	task [dreg:s7], $0x5FFFF  }
0x24: {  	[dreg:$0x1] =	wrdreg $0xFFFFFFFF  }
0x25: {  	[dreg:$0x0] =	wrdreg $0x60  }
0x26: {  	[dreg:$0x2] =	wrdreg s25  }
0x27: {  	[dreg:$0x3] =	wrdreg s2  }
0x28: {  	[dreg:$0x4] =	wrdreg $0x9  }
0x29: {  	_ =	task.clear_ibuf [dreg:s7], $0x5FFFF;
	_ =	strace $0x90000049  }
0x2a: {  	s29 =	simm.s32 $0x9;
	_ =	strace $0x8000004B  }
0x2b: {  	_ =	swait.ge [sflag:s29], $0x1  }
0x2c: {  	[sflag:s29] =	ssyncadd.s32 $0xFFFFFFFF  }
0x2d: {  	_ =	strace $0x9000004B  }
0x2e: {  	_ =	sfence  }
0x2f: {  	s30 =	sld [smem:$0x0];
	_ =	sdelay $0x2  }
0x30: {  	s31 =	sshll.u32 s1, $0xD;
	s1 =	sshrl.u32 s1, $0x2  }
0x31: {  	s3 =	sand.u32 $0x4000, s31;
	s1 =	sadd.s32 s1, s30  }
0x32: {  	s0 =	sor.u32 s3, s0;
	s1 =	sshll.u32 s1, $0x11  }
0x33: {  	s0 =	sor.u32 s1, s0  }
0x34: {  	s0 =	sadd.s32 $0x8F2B, s0  }
0x35: {  	[sflag:s0] =	ssyncadd.remote.s32 $0x1  }
0x36: {  	_ =	sfence.sel $0xFFFF  }
0x37: {  	[dreg:$0x0] =	wrdreg $0xFFFFFFFF;
	(pc) =	sbr.abs _section_cstart, $3  }
0x38: {  	[dreg:$0x1] =	wrdreg $0xFFFFFFFF  }
0x39: {  	_ =	task.clear_ibuf [dreg:s7], $0x2FFFF;
	_ =	strace $0x9FFFFFFF  }
0x3a: {  	(tm) =	ssettm $0x7FFFFFFF  }
0x3b: {  	_ =	shalt  }
tec
execute0_lowered:
.L_overlay_start_1:
0x0: {  	(tag) =	ssettag $0x1  }
0x1: {  	s0 =	srdreg.scid  }
0x2: {  	s1 =	sshll.u32 s0, $0x4  }
0x3: {  	s2 =	rddreg [dreg:$0x0];
	s0 =	stileid.u32;
	s1 =	sand.u32 $0x10, s1  }
0x4: {  	s4 =	rddreg [dreg:$0x1];
	s1 =	sor.u32 s0, s1  }
0x5: {  	s7 =	simm.s32 $0x1;
	s8 =	simm.s32 $0x2;
	s3 =	sshll.u32 s1, $0x7  }
0x6: {  	s11 =	simm.s32 $0x0;
	s10 =	simm.s32 $0x0;
	s6 =	ssub.s32 $0x186A00, s3  }
.Ltmp0:
0x7: {  	s1 =	rddreg [dreg:$0x2];
	s5 =	sand.u32 $0xF80, s6;
	(pc) =	sbr.rel .LBB1_1-.Ltmp0, $4  }
0x8: {  	_ =	strace $0x8000004A;
	s9 =	smov.u32 s3;
	p0 =	sne.s32 s5, $0x0  }
0x9: {  	s6 =	sshrl.u32 s6, $0xC;
	s5 =	simm.s32 $0x1;
	s7 =	simm.s32 @!p0 $0x0  }
0xa: {  	[sflag:s5] =	ssyncpa.u1 $0x0;
	p0 =	por $0x0, $0x0;
	s6 =	sadd.s32 s7, s6  }
0xb: {  	[sflag:s8] =	ssyncpa.u1 $0x0;
	s8 =	simm.s32 $0xC35000;
	s7 =	sadd.s32 $0x1, s6  }
.LBB1_4:
0xc: {  	s14 =	sshll.u32 s11, $0x3  }
0xd: {  	s14 =	sand.u32 $0xFFFFFC00, s14  }
0xe: {  	s15 =	sshrl.u32 s14, $0x9  }
0xf: {  	s15 =	smulhi.u32 $0xA7C5AD, s15;
	_ =	sdelay $0x1  }
0x10: {  	s15 =	sshrl.u32 s15, $0x3  }
0x11: {  	s28 =	sand.u32 $0x7F, s11;
	s16 =	smul.u32 $0x186A00, s15  }
0x12: {  	s11 =	sor.u32 s28, s14  }
0x13: {  	s29 =	sand.u32 $0x1F, s15;
	s11 =	ssub.s32 s11, s16  }
0x14: {  	s14 =	smul.u32 $0x30D40, s29;
	s30 =	sshrl.u32 s11, $0x3;
	s11 =	sand.u32 $0x7, s11  }
0x15: {  	s15 =	sadd.s32 s4, s30;
	s11 =	sshll.u32 s11, $0x12  }
0x16: {  	[tilespmem:s13+$0x0 ss:$0x81] =	vst.msk $0xffff, v0;
	s31 =	sadd.s32 s14, s15;
	s11 =	sor.u32 $0x400, s11  }
0x17: {  	[hbm4b:s31+s11] =	stream.strided.scatter [tilespmem:s12], [sflag:$0x2], $0x1000, s8, s11, $0x20;
	[tilespmem:$0x4040] =	vst v63  }
.LBB1_5:
0x18: {  	s13 =	sadd.s32 $0x1000, s9  }
0x19: {  	p2 =	sgt.s32 s13, $0x1869FF  }
0x1a: {  	s13 =	smov.u32 @p2 s3;
	p2 =	sne.s32 s10, s7  }
.Ltmp1:
0x1b: {  	p1 =	slt.u32 s10, $0x2;
	(pc) =	sbr.rel @!p2 .LBB1_6-.Ltmp1, $4  }
0x1c: {  	s12 =	simm.s32 @!p1 $0x2  }
0x1d: {  	s14 =	sadd.s32 $0x1, s10;
	_ =	swait.ge @!p1 [sflag:s12], $0x1000  }
0x1e: {  	s11 =	smov.u32 s9;
	p0 =	por !p0, !p0;
	[sflag:s12] =	ssyncset.done @!p1 $0x0  }
0x1f: {  	s10 =	smov.u32 s14;
	s9 =	smov.u32 s13;
	[sflag:s12] =	ssyncadd.s32 @!p1 $0xFFFFF000  }
.LBB1_1:
0x20: {  	p1 =	sge.u32 s10, s6  }
0x21: {  	s12 =	sand.u32 @!p1 $0x1FFFFFF, s9  }
0x22: {  	s13 =	smulhi.u32 @!p1 $0x14F8B59, s12;
	_ =	sdelay $0x1  }
0x23: {  	s13 =	sshrl.u32 @!p1 s13, $0xD  }
0x24: {  	s13 =	smul.u32 @!p1 $0x186A00, s13;
	_ =	sdelay $0x1  }
0x25: {  	s31 =	sadd.s32 $0xFFFFFFFF, s10;
	s14 =	sxor.u32 @!p1 $0xFFFFFFFF, s10;
	s12 =	ssub.s32 @!p1 s12, s13  }
0x26: {  	s15 =	simm.s32 @!p1 $0x80;
	s14 =	sshll.u32 @!p1 s14, $0xC;
	s12 =	sshll.u32 @!p1 s12, $0x4  }
0x27: {  	s13 =	sand.u32 @!p1 $0x1000, s14;
	s14 =	simm.s32 @!p1 $0x20;
	s12 =	sadd.s32 @!p1 s2, s12  }
0x28: {  	[tilespmem:s13], [sflag:$0x1] =	stream.strided.gather @!p1 [hbm4b:s12+s14], $0x1000, s15, s14, $0x38;
	[tilespmem:$0x4040] =	vst v63  }
0x29: {  	p1 =	sge.u32 s31, s6  }
.Ltmp2:
0x2a: {  	_ = 	snop;
	(pc) =	sbr.rel @p1 .LBB1_5-.Ltmp2, $1  }
0x2b: {  	_ =	sdelay $0x3  }
0x2c: {  	s12 =	simm.s32 $0x1  }
0x2d: {  	_ =	swait.ge [sflag:s5], $0x1000;
	s12 =	simm.s32 @!p0 $0x0  }
0x2e: {  	[sflag:s5] =	ssyncset.done $0x0;
	s13 =	sshll.u32 s12, $0xC  }
0x2f: {  	[sflag:s5] =	ssyncadd.s32 $0xFFFFF000;
	s16 =	sor.u32 $0x10, s13  }
0x30: {  	s12 =	smul.u32 $0x4080, s12;
	v1 =	vld [tilespmem:s16+$0x0]  }
0x31: {  	s30 =	sand.u32 $0x1, s10;
	v0 =	vld [tilespmem:s16+$0xFFFFFFF0]  }
0x32: {  	s13 =	smul.u32 $0x4080, s30;
	s12 =	sshrl.u32 s12, $0x2  }
0x33: {  	s14 =	sor.u32 $0x2000, s12  }
0x34: {  	s31 =	sshrl.u32 s13, $0x2;
	s13 =	sadd.s32 $0x0, s14  }
0x35: {  	s15 =	simm.s32 $0x4;
	s16 =	sadd.s32 $0x20, s16;
	s12 =	sor.u32 $0x2000, s31;
	[tilespmem:s13+$0x810 ss:$0x81] =	vst.msk $0xffff, v1  }
.LBB1_3:
0x36: {  	v1 =	vld [tilespmem:s16+$0x0];
	p1 =	sne.s32 s15, $0x1FC;
	[tilespmem:s13+$0x0 ss:$0x81] =	vst.msk $0xffff, v0;
	s13 =	smov.u32 s15;
	s15 =	sadd.s32 $0x4, s15  }
.Ltmp3:
0x37: {  	v0 =	vld [tilespmem:s16+$0xFFFFFFF0];
	(pc) =	sbr.rel @p1 .LBB1_3-.Ltmp3, $4  }
0x38: {  	_ = 	snop  }
0x39: {  	s13 =	sshra.s32 s13, $0x2  }
0x3a: {  	s13 =	sadd.s32 s13, s14  }
0x3b: {  	s16 =	sadd.s32 $0x20, s16;
	[tilespmem:s13+$0x810 ss:$0x81] =	vst.msk $0xffff, v1  }
.Ltmp4:
0x3c: {  	_ = 	snop;
	(pc) =	sbr.rel .LBB1_4-.Ltmp4, $1  }
0x3d: {  	_ =	sdelay $0x3  }
.LBB1_6:
0x3e: {  	_ =	sfence.sel $0x180000  }
0x3f: {  	s2 =	simm.s32 $0x1;
	[bflag:$0x0] =	sbarrier.arrive $0xFFFF  }
0x40: {  	s31 =	simm.s32 $0x2;
	[sflag:s2] =	ssyncpa.u1 $0x1  }
0x41: {  	[sflag:s31] =	ssyncpa.u1 $0x1  }
0x42: {  	p0 =	sne.s32 s0, $0x0;
	_ =	strace $0x9000004A  }
0x43: {  	s0 =	sadd.s32 @!p0 $0x100000, s1;
	[bflag:$0x2] =	sbarrier.arrive $0xFFFF  }
0x44: {  	[sflag:s0] =	ssyncadd.tile.s32 @!p0 $0x1;
	_ =	shalt  }
.Lfunc_end1:
_tile_overlayer_lowered:
.L_overlay_start_2:
0x45: {  	(tag) =	ssettag $0x2  }
0x46: {  	s0 =	rddreg [dreg:$0x0];
	s2 =	stileid.u32  }
0x47: {  	s1 =	rddreg [dreg:$0x1];
	p0 =	sne.s32 s2, $0x0  }
0x48: {  	s3 =	rddreg [dreg:$0x2];
	[bflag:$0x3] =	sbarrier.arrive $0xFFFF;
	s2 =	simm.s32 @!p0 $0x1C01  }
0x49: {  	[timem:s3], [sflag:s2] =	dma.local @!p0 [hbm:s0], s1  }
0x4a: {  	s0 =	simm.s32 @!p0 $0x1  }
0x4b: {  	_ =	swait.ge @!p0 [sflag:s0], s1  }
0x4c: {  	s1 =	ssub.s32 @!p0 $0x0, s1;
	[sflag:s0] =	ssyncset.done @!p0 $0x0  }
0x4d: {  	[sflag:s0] =	ssyncadd.s32 @!p0 s1  }
0x4e: {  	[bflag:$0x3] =	sbarrier.arrive $0xFFFF  }
0x4f: {  	_ =	shalt  }

</sc_bundles>
